<compile_context>
chip_gen: v7x
topology: tpu7x:2x2x1
jax: 0.10.2.dev20260603
libtpu: 0.0.44.dev20260713+nightly
codegen_flags: <defaults>
</compile_context>

<pallas_src>
import functools

import jax
import jax.numpy as jnp
from jax import lax
from jax.experimental import pallas as pl
from jax.experimental.pallas import tpu as pltpu
from jax.experimental.pallas import tpu_sc as plsc

N = 10000
E = 320000
B = 256
LIB = 1000
D = 128

NC = 2
NS = 16
NW = NC * NS
L = 16

SLAB = 312
SLAB_LAST = SLAB + (N - SLAB * NW)
PSLAB = 320
PSLAB_LAST = N - PSLAB * (NW - 1)
EPW = E // NW
EK = 80
ESTEPS = EPW // EK
RPW = 624
RPW_LAST = N - RPW * (NS - 1)

_MESH = plsc.VectorSubcoreMesh(core_axis_name="c", subcore_axis_name="s")


def _worker_id():
    return lax.axis_index("s") * NC + lax.axis_index("c")


def _emb_gather_body(xv_hbm, emb_hbm, out_hbm, idx_v, rows_v, idx2_v, rows2_v, sem):
    w = _worker_id()
    base = w * SLAB
    for i in range(3):
        off = base + i * 104
        pltpu.sync_copy(xv_hbm.at[pl.ds(off, 104)], idx_v)
        pltpu.async_copy(emb_hbm.at[idx_v], rows_v, sem).wait()
        pltpu.sync_copy(rows_v, out_hbm.at[pl.ds(off, 104)])

    @pl.when(w == NW - 1)
    def _():
        off = base + SLAB
        pltpu.sync_copy(xv_hbm.at[pl.ds(off, 16)], idx2_v)
        pltpu.async_copy(emb_hbm.at[idx2_v], rows2_v, sem).wait()
        pltpu.sync_copy(rows2_v, out_hbm.at[pl.ds(off, 16)])


@jax.jit
def _emb_gather(xv, emb):
    return pl.kernel(
        _emb_gather_body,
        out_type=jax.ShapeDtypeStruct((N, D), jnp.float32),
        mesh=_MESH,
        scratch_types=[
            pltpu.VMEM((104,), jnp.int32),
            pltpu.VMEM((104, D), jnp.float32),
            pltpu.VMEM((16,), jnp.int32),
            pltpu.VMEM((16, D), jnp.float32),
            pltpu.SemaphoreType.DMA,
        ],
    )(xv, emb)


ECHUNK = 1600
TRASH = 335
TRASH_REC = TRASH << 14
CAPW = E + EK
VBUF = 2176
FLUSH = 2048


def _prefix16(m):
    iota = lax.iota(jnp.int32, L)
    for k in (1, 2, 4, 8):
        g = m.at[jnp.maximum(iota - k, 0)].get(mode="promise_in_bounds")
        m = m + jnp.where(iota >= k, g, 0)
    return m


def _bucket_body(src_hbm, dst_hbm, rec_hbm, cnt_hbm, svbuf, dvbuf, vbuf, cbuf, sem):
    w = _worker_id()
    low = w * SLAB
    hi = low + jnp.where(w == NW - 1, SLAB_LAST, SLAB)
    full_mask = jnp.ones((L,), jnp.bool_)
    tvec = jnp.full((L,), TRASH_REC, jnp.int32)

    def outer(oi, carry):
        pltpu.sync_copy(src_hbm.at[pl.ds(oi * ECHUNK, ECHUNK)], svbuf)
        pltpu.sync_copy(dst_hbm.at[pl.ds(oi * ECHUNK, ECHUNK)], dvbuf)

        def inner(gk, c2):
            vcur, gcur = c2
            recs, masks, cms = [], [], []
            for u in range(4):
                sv = svbuf[pl.ds((gk * 4 + u) * L, L)]
                dv = dvbuf[pl.ds((gk * 4 + u) * L, L)]
                mask = (dv >= low) & (dv < hi)
                rec = sv | ((dv - low) << 14)
                cm = _prefix16(jnp.where(mask, 1, 0))
                recs.append(rec)
                masks.append(mask)
                cms.append(cm)
            base = vcur
            for u in range(4):
                plsc.store_scatter(vbuf, [base + cms[u] - 1], recs[u], mask=masks[u])
                base = base + cms[u][L - 1]
            vcur = base

            def do_flush(args):
                vc, gc = args
                pltpu.sync_copy(vbuf.at[pl.ds(0, FLUSH)], rec_hbm.at[pl.ds(pl.multiple_of(w * CAPW + gc, 2048), FLUSH)])
                for t in range(4):
                    tail = vbuf[pl.ds(FLUSH + t * L, L)]
                    vbuf[pl.ds(t * L, L)] = tail
                return (vc - FLUSH, gc + FLUSH)

            return lax.cond(vcur >= FLUSH, do_flush, lambda a: a, (vcur, gcur))

        return lax.fori_loop(0, ECHUNK // L // 4, inner, carry)

    vcur, gcur = lax.fori_loop(0, E // ECHUNK, outer, (jnp.int32(0), jnp.int32(0)))

    plsc.store_scatter(vbuf, [vcur + lax.iota(jnp.int32, L)], tvec, mask=full_mask)
    vcur = ((vcur + L - 1) // L) * L

    def pad_more(args):
        vc, gc = args
        plsc.store_scatter(vbuf, [vc + lax.iota(jnp.int32, L)], tvec, mask=full_mask)
        return (vc + L, gc)

    def pad_cond(args):
        vc, gc = args
        return ((gc + vc) % EK) != 0

    vcur, gcur = lax.while_loop(pad_cond, pad_more, (vcur, gcur))

    def fl(i, args):
        vc, gc = args
        pltpu.sync_copy(vbuf.at[pl.ds(i * L, L)], rec_hbm.at[pl.ds(pl.multiple_of(w * CAPW + gc + i * L, L), L)])
        return (vc, gc)

    lax.fori_loop(0, vcur // L, fl, (vcur, gcur))
    total = gcur + vcur

    cbuf[...] = jnp.where(lax.iota(jnp.int32, L) == 0, total, 0)
    pltpu.sync_copy(cbuf, cnt_hbm.at[pl.ds(w * L, L)])


@jax.jit
def _bucket(src, dst):
    return pl.kernel(
        _bucket_body,
        out_type=(
            jax.ShapeDtypeStruct((NW * CAPW,), jnp.int32),
            jax.ShapeDtypeStruct((NW * L,), jnp.int32),
        ),
        mesh=_MESH,
        scratch_types=[
            pltpu.VMEM((ECHUNK,), jnp.int32),
            pltpu.VMEM((ECHUNK,), jnp.int32),
            pltpu.VMEM((VBUF,), jnp.int32),
            pltpu.VMEM((L,), jnp.int32),
            pltpu.SemaphoreType.DMA,
        ],
        compiler_params=pltpu.CompilerParams(needs_layout_passes=False),
    )(src, dst)


RECCAP = 16384


def _edge_agg_body(h_hbm, rec_hbm, cnt_hbm, out_hbm, recbig, sidxA, sidxB,
                   rowsA, rowsB, acc, cbuf, semA, semB):
    w = _worker_id()
    zv = jnp.zeros((L,), jnp.float32)

    def zb(i, carry):
        for j in range(D // L):
            acc[i, pl.ds(j * L, L)] = zv
        return carry

    lax.fori_loop(0, TRASH + 1, zb, 0)

    pltpu.sync_copy(cnt_hbm.at[pl.ds(w * L, L)], cbuf)
    total = cbuf[...][0]
    nch = total // EK

    def decode(ci, sidx):
        for k in range(EK // L):
            rv = recbig[pl.ds(ci * EK + k * L, L)]
            sidx[pl.ds(k * L, L)] = rv & 0x3FFF

    def accumulate(ci, rows):
        for k in range(EK // L):
            dlv = recbig[pl.ds(ci * EK + k * L, L)] >> 14
            for r in range(L):
                li = dlv[r]
                for j in range(D // L):
                    plsc.addupdate(acc.at[li, pl.ds(j * L, L)],
                                   rows[k * L + r, pl.ds(j * L, L)])

    @pl.when(total <= RECCAP)
    def _fast():
        nrg = (total + 2047) // 2048

        def pre(i, carry):
            pltpu.sync_copy(
                rec_hbm.at[pl.ds(pl.multiple_of(w * CAPW + i * 2048, 8), 2048)],
                recbig.at[pl.ds(i * 2048, 2048)])
            return carry

        lax.fori_loop(0, nrg, pre, 0)

        @pl.when(nch > 0)
        def _():
            decode(0, sidxA)
            pltpu.async_copy(h_hbm.at[sidxA], rowsA, semA)

            def chunk(ci, carry):
                @pl.when(lax.rem(ci, 2) == 0)
                def _():
                    @pl.when(ci + 1 < nch)
                    def _():
                        decode(ci + 1, sidxB)
                        pltpu.async_copy(h_hbm.at[sidxB], rowsB, semB)
                    pltpu.make_async_copy(h_hbm.at[sidxA], rowsA, semA).wait()
                    accumulate(ci, rowsA)

                @pl.when(lax.rem(ci, 2) == 1)
                def _():
                    @pl.when(ci + 1 < nch)
                    def _():
                        decode(ci + 1, sidxA)
                        pltpu.async_copy(h_hbm.at[sidxA], rowsA, semA)
                    pltpu.make_async_copy(h_hbm.at[sidxB], rowsB, semB).wait()
                    accumulate(ci, rowsB)

                return carry

            lax.fori_loop(0, nch, chunk, 0)

    @pl.when(total > RECCAP)
    def _slow():
        def chunk(ci, carry):
            pltpu.sync_copy(
                rec_hbm.at[pl.ds(pl.multiple_of(w * CAPW + ci * EK, 8), EK)],
                recbig.at[pl.ds(0, EK)])
            decode(0, sidxA)
            pltpu.async_copy(h_hbm.at[sidxA], rowsA, semA).wait()
            accumulate(0, rowsA)
            return carry

        lax.fori_loop(0, nch, chunk, 0)

    @pl.when(w < NW - 1)
    def _():
        pltpu.sync_copy(acc.at[pl.ds(0, SLAB)], out_hbm.at[pl.ds(w * SLAB, SLAB)])

    @pl.when(w == NW - 1)
    def _():
        pltpu.sync_copy(acc.at[pl.ds(0, SLAB_LAST)], out_hbm.at[pl.ds((NW - 1) * SLAB, SLAB_LAST)])


@jax.jit
def _edge_agg(h, rec, cnt):
    return pl.kernel(
        _edge_agg_body,
        out_type=jax.ShapeDtypeStruct((N, D), jnp.float32),
        mesh=_MESH,
        scratch_types=[
            pltpu.VMEM((RECCAP,), jnp.int32),
            pltpu.VMEM((EK,), jnp.int32),
            pltpu.VMEM((EK,), jnp.int32),
            pltpu.VMEM((EK, D), jnp.float32),
            pltpu.VMEM((EK, D), jnp.float32),
            pltpu.VMEM((TRASH + 1, D), jnp.float32),
            pltpu.VMEM((L,), jnp.int32),
            pltpu.SemaphoreType.DMA,
            pltpu.SemaphoreType.DMA,
        ],
        compiler_params=pltpu.CompilerParams(needs_layout_passes=False),
    )(h, rec, cnt)


def _pool_body(h_hbm, batch_hbm, pmax_hbm, psum_hbm, accm, accs, rowbuf, bbufv, sem):
    w = _worker_id()
    base = w * PSLAB

    ninf = jnp.full((L,), -jnp.inf, jnp.float32)
    zv = jnp.zeros((L,), jnp.float32)

    def init(i, carry):
        for j in range(D // L):
            accm[i, pl.ds(j * L, L)] = ninf
            accs[i, pl.ds(j * L, L)] = zv
        return carry

    lax.fori_loop(0, B, init, 0)

    @pl.when(w < NW - 1)
    def _():
        pltpu.sync_copy(batch_hbm.at[pl.ds(base, PSLAB)], bbufv)

    @pl.when(w == NW - 1)
    def _():
        pltpu.sync_copy(batch_hbm.at[pl.ds(base, PSLAB_LAST)], bbufv.at[pl.ds(0, PSLAB_LAST)])

    nchunk = jnp.where(w == NW - 1, PSLAB_LAST // L, PSLAB // L)

    def chunk(ci, carry):
        pltpu.sync_copy(h_hbm.at[pl.ds(base + ci * L, L)], rowbuf)
        bv = bbufv[pl.ds(ci * L, L)]
        for r in range(L):
            bid = bv[r]
            for j in range(D // L):
                v = rowbuf[r, pl.ds(j * L, L)]
                m = accm[bid, pl.ds(j * L, L)]
                accm[bid, pl.ds(j * L, L)] = jnp.maximum(m, v)
                sv = accs[bid, pl.ds(j * L, L)]
                accs[bid, pl.ds(j * L, L)] = sv + v
        return carry

    lax.fori_loop(0, nchunk, chunk, 0)

    pltpu.sync_copy(accm, pmax_hbm.at[w])
    pltpu.sync_copy(accs, psum_hbm.at[w])


@jax.jit
def _pool(h, batch):
    return pl.kernel(
        _pool_body,
        out_type=(
            jax.ShapeDtypeStruct((NW, B, D), jnp.float32),
            jax.ShapeDtypeStruct((NW, B, D), jnp.float32),
        ),
        mesh=_MESH,
        scratch_types=[
            pltpu.VMEM((B, D), jnp.float32),
            pltpu.VMEM((B, D), jnp.float32),
            pltpu.VMEM((L, D), jnp.float32),
            pltpu.VMEM((PSLAB,), jnp.int32),
            pltpu.SemaphoreType.DMA,
        ],
    )(h, batch)


RBLK = 1000


def _dense_body(agg_ref, h_ref, Wrel_ref, brel_ref, Wroot_ref, p_ref, out_ref):
    agg = agg_ref[...]
    h = h_ref[...]
    g = (
        jnp.dot(agg, Wrel_ref[...], preferred_element_type=jnp.float32)
        + brel_ref[...]
        + jnp.dot(h, Wroot_ref[...], preferred_element_type=jnp.float32)
    )
    g = jnp.where(g >= 0.0, g, 0.01 * g)
    p = p_ref[...]
    pnorm = jnp.sqrt(jnp.sum(p * p))
    score = jnp.dot(g, p, preferred_element_type=jnp.float32) / (pnorm + 1e-16)
    out_ref[...] = g * jnp.tanh(score)


@jax.jit
def _dense(agg, h, Wrel, brel2d, Wroot, p2d):
    return pl.pallas_call(
        _dense_body,
        grid=(N // RBLK,),
        in_specs=[
            pl.BlockSpec((RBLK, D), lambda i: (i, 0)),
            pl.BlockSpec((RBLK, D), lambda i: (i, 0)),
            pl.BlockSpec((D, D), lambda i: (0, 0)),
            pl.BlockSpec((1, D), lambda i: (0, 0)),
            pl.BlockSpec((D, D), lambda i: (0, 0)),
            pl.BlockSpec((D, 1), lambda i: (0, 0)),
        ],
        out_specs=pl.BlockSpec((RBLK, D), lambda i: (i, 0)),
        out_shape=jax.ShapeDtypeStruct((N, D), jnp.float32),
    )(agg, h, Wrel, brel2d, Wroot, p2d)


def _final_body(
    pm1, ps1, pm2, ps2, pm3, ps3, batch_ref,
    Wl1_ref, bl1_ref, g1_ref, be1_ref,
    Wl2_ref, bl2_ref, g2_ref, be2_ref,
    Wl3_ref, bl3_ref, out_ref,
    m1, s1, m2, s2, m3, s3,
):
    i = pl.program_id(0)

    @pl.when(i == 0)
    def _():
        m1[...] = pm1[0]
        s1[...] = ps1[0]
        m2[...] = pm2[0]
        s2[...] = ps2[0]
        m3[...] = pm3[0]
        s3[...] = ps3[0]

    @pl.when(i > 0)
    def _():
        m1[...] = jnp.maximum(m1[...], pm1[0])
        s1[...] = s1[...] + ps1[0]
        m2[...] = jnp.maximum(m2[...], pm2[0])
        s2[...] = s2[...] + ps2[0]
        m3[...] = jnp.maximum(m3[...], pm3[0])
        s3[...] = s3[...] + ps3[0]

    @pl.when(i == NW - 1)
    def _():
        rows = lax.broadcasted_iota(jnp.int32, (B, 1), 0)
        cnt = jnp.zeros((B, 1), jnp.float32)
        for cidx in range(10):
            bc = batch_ref[0:1, cidx * 1000:(cidx + 1) * 1000]
            eq = (bc == rows).astype(jnp.float32)
            cnt = cnt + jnp.sum(eq, axis=1, keepdims=True)
        denom = jnp.maximum(cnt, 1.0)

        def xcat(m, s):
            gmp = jnp.where(jnp.isfinite(m[...]), m[...], 0.0)
            gap = s[...] / denom
            return gmp, gap

        gmp1, gap1 = xcat(m1, s1)
        gmp2, gap2 = xcat(m2, s2)
        gmp3, gap3 = xcat(m3, s3)
        z = jnp.concatenate(
            [gmp1 + gmp2 + gmp3, gap1 + gap2 + gap3], axis=1
        )

        def lrelu(v):
            return jnp.where(v >= 0.0, v, 0.01 * v)

        def bn(v, gm, bt):
            mu = jnp.mean(v, axis=0, keepdims=True)
            var = jnp.mean((v - mu) ** 2, axis=0, keepdims=True)
            return (v - mu) / jnp.sqrt(var + 1e-5) * gm + bt

        z = jnp.dot(z, Wl1_ref[...], preferred_element_type=jnp.float32) + bl1_ref[...]
        z = bn(lrelu(z), g1_ref[...], be1_ref[...])
        z = jnp.dot(z, Wl2_ref[...], preferred_element_type=jnp.float32) + bl2_ref[...]
        z = bn(lrelu(z), g2_ref[...], be2_ref[...])
        z = jnp.dot(z, Wl3_ref[...], preferred_element_type=jnp.float32) + bl3_ref[...]
        out_ref[...] = z


@jax.jit
def _final(pools, batch2d, Wl1, bl1, g1, be1, Wl2, bl2, g2, be2, Wl3, bl3):
    pm1, ps1, pm2, ps2, pm3, ps3 = pools
    part_spec = pl.BlockSpec((1, B, D), lambda i: (i, 0, 0))
    full = lambda a: pl.BlockSpec(a.shape, lambda i: tuple(0 for _ in a.shape))
    return pl.pallas_call(
        _final_body,
        grid=(NW,),
        in_specs=[part_spec] * 6 + [
            full(batch2d), full(Wl1), full(bl1), full(g1), full(be1),
            full(Wl2), full(bl2), full(g2), full(be2), full(Wl3), full(bl3),
        ],
        out_specs=pl.BlockSpec((B, 1), lambda i: (0, 0)),
        out_shape=jax.ShapeDtypeStruct((B, 1), jnp.float32),
        scratch_shapes=[pltpu.VMEM((B, D), jnp.float32)] * 6,
        compiler_params=pltpu.CompilerParams(
            dimension_semantics=("arbitrary",),
        ),
    )(pm1, ps1, pm2, ps2, pm3, ps3, batch2d, Wl1, bl1, g1, be1,
      Wl2, bl2, g2, be2, Wl3, bl3)


def kernel(x, edge_index, batch, emb, Wrel1, brel1, Wroot1, p1, Wrel2, brel2,
           Wroot2, p2, Wrel3, brel3, Wroot3, p3, Wl1, bl1, g1, be1, Wl2, bl2,
           g2, be2, Wl3, bl3):
    xv = x[:, 0]
    src = edge_index[0]
    dst = edge_index[1]
    batch2d = batch[None, :]

    h = _emb_gather(xv, emb)
    rec, cnt = _bucket(src, dst)

    layer_params = (
        (Wrel1, brel1, Wroot1, p1),
        (Wrel2, brel2, Wroot2, p2),
        (Wrel3, brel3, Wroot3, p3),
    )
    pools = []
    for Wrel, brel, Wroot, p in layer_params:
        agg = _edge_agg(h, rec, cnt)
        h = _dense(agg, h, Wrel, brel[None, :], Wroot, p[:, None])
        pm, ps = _pool(h, batch)
        pools.extend([pm, ps])

    out = _final(
        tuple(pools), batch2d,
        Wl1, bl1[None, :], g1[None, :], be1[None, :],
        Wl2, bl2[None, :], g2[None, :], be2[None, :],
        Wl3, bl3[None, :],
    )
    return out[:, 0]

# --- scband reference (transcript-rebuilt; emitter-appended) ---
"""Pipeline reference for scband-sweet-net-8022998909110 (READ-ONLY COPY).

The authoritative reference and input builder live on the scoring server;
editing this copy changes nothing except your own understanding.
"""

import jax, jax.numpy as jnp
import numpy as np

N = 10000
E = 320000
B = 256
LIB = 1000
D = 128


def setup_inputs(seed: int = 0) -> dict:
    key = jax.random.key(seed)
    ks = jax.random.split(key, 32)
    inp = {}
    inp['x'] = jax.random.randint(ks[0], (N, 1), 0, LIB + 1, dtype=jnp.int32)
    inp['edge_index'] = jax.random.randint(ks[1], (2, E), 0, N, dtype=jnp.int32)
    inp['batch'] = jnp.sort(jax.random.randint(ks[2], (N,), 0, B, dtype=jnp.int32))
    inp['emb'] = jax.random.normal(ks[3], (LIB + 1, D), dtype=jnp.float32) * 0.05

    def lin(k, i, o):
        return jax.random.normal(k, (i, o), dtype=jnp.float32) * (1.0 / np.sqrt(i))

    inp['Wrel1'] = lin(ks[4], D, D)
    inp['brel1'] = jnp.zeros((D,), jnp.float32)
    inp['Wroot1'] = lin(ks[5], D, D)
    inp['p1'] = jax.random.normal(ks[6], (D,), jnp.float32)
    inp['Wrel2'] = lin(ks[7], D, D)
    inp['brel2'] = jnp.zeros((D,), jnp.float32)
    inp['Wroot2'] = lin(ks[8], D, D)
    inp['p2'] = jax.random.normal(ks[9], (D,), jnp.float32)
    inp['Wrel3'] = lin(ks[10], D, D)
    inp['brel3'] = jnp.zeros((D,), jnp.float32)
    inp['Wroot3'] = lin(ks[11], D, D)
    inp['p3'] = jax.random.normal(ks[12], (D,), jnp.float32)
    inp['Wl1'] = lin(ks[13], 2 * D, 1024)
    inp['bl1'] = jnp.zeros((1024,), jnp.float32)
    inp['g1'] = jnp.ones((1024,), jnp.float32)
    inp['be1'] = jnp.zeros((1024,), jnp.float32)
    inp['Wl2'] = lin(ks[14], 1024, 64)
    inp['bl2'] = jnp.zeros((64,), jnp.float32)
    inp['g2'] = jnp.ones((64,), jnp.float32)
    inp['be2'] = jnp.zeros((64,), jnp.float32)
    inp['Wl3'] = lin(ks[15], 64, 1)
    inp['bl3'] = jnp.zeros((1,), jnp.float32)
    return inp


def _graph_conv(h, src, dst, Wrel, brel, Wroot):
    agg = jax.ops.segment_sum(h[src], dst, num_segments=h.shape[0])
    return agg @ Wrel + brel + h @ Wroot


def _gate(h, p):
    score = h @ p / (jnp.linalg.norm(p) + 1e-16)
    return h * jnp.tanh(score)[:, None]


def _gmp(h, batch):
    m = jax.ops.segment_max(h, batch, num_segments=B)
    return jnp.where(jnp.isfinite(m), m, 0.0)


def _gap(h, batch):
    s = jax.ops.segment_sum(h, batch, num_segments=B)
    c = jax.ops.segment_sum(jnp.ones((h.shape[0], 1), jnp.float32), batch, num_segments=B)
    return s / jnp.maximum(c, 1.0)


def _bn(h, g, b):
    mu = jnp.mean(h, axis=0)
    var = jnp.var(h, axis=0)
    return (h - mu) / jnp.sqrt(var + 1e-5) * g + b


def _lrelu(h):
    return jax.nn.leaky_relu(h, 0.01)


def reference(x, edge_index, batch, emb, Wrel1, brel1, Wroot1, p1, Wrel2, brel2, Wroot2, p2, Wrel3, brel3, Wroot3, p3, Wl1, bl1, g1, be1, Wl2, bl2, g2, be2, Wl3, bl3):
    src, dst = edge_index[0], edge_index[1]
    h = emb[x[:, 0]]
    h = _lrelu(_graph_conv(h, src, dst, Wrel1, brel1, Wroot1))
    h = _gate(h, p1)
    x1 = jnp.concatenate([_gmp(h, batch), _gap(h, batch)], axis=1)
    h = _lrelu(_graph_conv(h, src, dst, Wrel2, brel2, Wroot2))
    h = _gate(h, p2)
    x2 = jnp.concatenate([_gmp(h, batch), _gap(h, batch)], axis=1)
    h = _lrelu(_graph_conv(h, src, dst, Wrel3, brel3, Wroot3))
    h = _gate(h, p3)
    x3 = jnp.concatenate([_gmp(h, batch), _gap(h, batch)], axis=1)
    z = x1 + x2 + x3
    z = z @ Wl1 + bl1
    z = _bn(_lrelu(z), g1, be1)
    z = z @ Wl2 + bl2
    z = _bn(_lrelu(z), g2, be2)
    z = z @ Wl3 + bl3
    return z[:, 0]

if __name__ == "__main__":
    import jax
    _d = setup_inputs()
    print(jax.jit(kernel)(*tuple(_d.values())))

</pallas_src>

<mosaic_0001>
#map = affine_map<(d0, d1) -> (0)>
#map1 = affine_map<(d0, d1) -> (0, 0)>
module attributes {stable_mosaic.version = 14 : i64} {
  func.func @_emb_gather_body(%arg0: i32, %arg1: i32, %arg2: memref<10000xi32, #tpu.memory_space<hbm>>, %arg3: memref<1001x128xf32, #tpu.memory_space<hbm>>, %arg4: memref<10000x128xf32, #tpu.memory_space<hbm>>, %arg5: memref<104xi32, #tpu.memory_space<vmem>>, %arg6: memref<104x128xf32, #tpu.memory_space<vmem>>, %arg7: memref<16xi32, #tpu.memory_space<vmem>>, %arg8: memref<16x128xf32, #tpu.memory_space<vmem>>, %arg9: memref<!tpu.dma_semaphore, #tpu.memory_space<semaphore_mem>>) attributes {dimension_semantics = [#tpu.dimension_semantics<core_parallel>, #tpu.dimension_semantics<subcore_parallel>], iteration_bounds = array<i64: 2, 16>, scalar_prefetch = 0 : i64, scratch_operands = 5 : i64, tpu.core_type = #tpu.core_type<sc_vector_subcore>, window_params = [{transform_indices = #map}, {transform_indices = #map1}, {transform_indices = #map1}]} {
    %mul3A = arith.constant 2 : i32
    %mul3A_0 = arith.muli %arg1, %mul3A : i32
    %add3A = arith.addi %mul3A_0, %arg0 : i32
    %mul3A_1 = arith.constant 312 : i32
    %mul3A_2 = arith.muli %add3A, %mul3A_1 : i32
    %add3A_3 = arith.constant 0 : i32
    %add3A_4 = arith.addi %mul3A_2, %add3A_3 : i32
    "tpu.region"() ({
      %run_scoped3A = tpu.sem_alloc : memref<!tpu.dma_semaphore, #tpu.memory_space<semaphore_mem>>
      %dma_start3A_27 = tpu.memref_slice %arg2[%add3A_4] : memref<10000xi32, #tpu.memory_space<hbm>> -> memref<104xi32, #tpu.memory_space<hbm>>
      %dma_start3A_28 = tpu.memref_slice %arg2[%add3A_4] : memref<10000xi32, #tpu.memory_space<hbm>> -> memref<104xi32, #tpu.memory_space<hbm>>
      tpu.enqueue_dma source(%dma_start3A_28 : memref<104xi32, #tpu.memory_space<hbm>>) target(%arg5 : memref<104xi32, #tpu.memory_space<vmem>>) target_semaphore(%run_scoped3A : memref<!tpu.dma_semaphore, #tpu.memory_space<semaphore_mem>>)
      %dma_wait3A_29 = tpu.memref_slice %arg2[%add3A_4] : memref<10000xi32, #tpu.memory_space<hbm>> -> memref<104xi32, #tpu.memory_space<hbm>>
      %dma_wait3A_30 = tpu.memref_slice %arg2[%add3A_4] : memref<10000xi32, #tpu.memory_space<hbm>> -> memref<104xi32, #tpu.memory_space<hbm>>
      tpu.wait_dma2 semaphore(%run_scoped3A : memref<!tpu.dma_semaphore, #tpu.memory_space<semaphore_mem>>) src(%dma_wait3A_30 : memref<104xi32, #tpu.memory_space<hbm>>) dst(%arg5 : memref<104xi32, #tpu.memory_space<vmem>>)
      tpu.yield
    }) : () -> ()
    %dma_start3A = arith.constant 0 : i32
    %dma_start3A_5 = arith.constant 0 : i32
    %dma_start3A_6 = tpu.memref_slice %arg3[%dma_start3A, %dma_start3A_5] : memref<1001x128xf32, #tpu.memory_space<hbm>> -> memref<1001x128xf32, #tpu.memory_space<hbm>>
    tpu.enqueue_indirect_dma source(%dma_start3A_6 : memref<1001x128xf32, #tpu.memory_space<hbm>>) target(%arg6 : memref<104x128xf32, #tpu.memory_space<vmem>>) offsets(%arg5 : memref<104xi32, #tpu.memory_space<vmem>>) semaphore(%arg9 : memref<!tpu.dma_semaphore, #tpu.memory_space<semaphore_mem>>)
    %dma_wait3A = arith.constant 0 : i32
    %dma_wait3A_7 = arith.constant 0 : i32
    %dma_wait3A_8 = tpu.memref_slice %arg3[%dma_wait3A, %dma_wait3A_7] : memref<1001x128xf32, #tpu.memory_space<hbm>> -> memref<1001x128xf32, #tpu.memory_space<hbm>>
    tpu.wait_indirect_dma semaphore(%arg9 : memref<!tpu.dma_semaphore, #tpu.memory_space<semaphore_mem>>) src(%dma_wait3A_8 : memref<1001x128xf32, #tpu.memory_space<hbm>>) dst(%arg6 : memref<104x128xf32, #tpu.memory_space<vmem>>)
    "tpu.region"() ({
      %run_scoped3A = tpu.sem_alloc : memref<!tpu.dma_semaphore, #tpu.memory_space<semaphore_mem>>
      %dma_start3A_27 = arith.constant 0 : i32
      %dma_start3A_28 = tpu.memref_slice %arg4[%add3A_4, %dma_start3A_27] : memref<10000x128xf32, #tpu.memory_space<hbm>> -> memref<104x128xf32, #tpu.memory_space<hbm>>
      %dma_start3A_29 = arith.constant 0 : i32
      %dma_start3A_30 = tpu.memref_slice %arg4[%add3A_4, %dma_start3A_29] : memref<10000x128xf32, #tpu.memory_space<hbm>> -> memref<104x128xf32, #tpu.memory_space<hbm>>
      tpu.enqueue_dma source(%arg6 : memref<104x128xf32, #tpu.memory_space<vmem>>) target(%dma_start3A_30 : memref<104x128xf32, #tpu.memory_space<hbm>>) target_semaphore(%run_scoped3A : memref<!tpu.dma_semaphore, #tpu.memory_space<semaphore_mem>>)
      %dma_wait3A_31 = arith.constant 0 : i32
      %dma_wait3A_32 = tpu.memref_slice %arg4[%add3A_4, %dma_wait3A_31] : memref<10000x128xf32, #tpu.memory_space<hbm>> -> memref<104x128xf32, #tpu.memory_space<hbm>>
      %dma_wait3A_33 = arith.constant 0 : i32
      %dma_wait3A_34 = tpu.memref_slice %arg4[%add3A_4, %dma_wait3A_33] : memref<10000x128xf32, #tpu.memory_space<hbm>> -> memref<104x128xf32, #tpu.memory_space<hbm>>
      tpu.wait_dma2 semaphore(%run_scoped3A : memref<!tpu.dma_semaphore, #tpu.memory_space<semaphore_mem>>) src(%arg6 : memref<104x128xf32, #tpu.memory_space<vmem>>) dst(%dma_wait3A_34 : memref<104x128xf32, #tpu.memory_space<hbm>>)
      tpu.yield
    }) : () -> ()
    %add3A_9 = arith.constant 104 : i32
    %add3A_10 = arith.addi %mul3A_2, %add3A_9 : i32
    "tpu.region"() ({
      %run_scoped3A = tpu.sem_alloc : memref<!tpu.dma_semaphore, #tpu.memory_space<semaphore_mem>>
      %dma_start3A_27 = tpu.memref_slice %arg2[%add3A_10] : memref<10000xi32, #tpu.memory_space<hbm>> -> memref<104xi32, #tpu.memory_space<hbm>>
      %dma_start3A_28 = tpu.memref_slice %arg2[%add3A_10] : memref<10000xi32, #tpu.memory_space<hbm>> -> memref<104xi32, #tpu.memory_space<hbm>>
      tpu.enqueue_dma source(%dma_start3A_28 : memref<104xi32, #tpu.memory_space<hbm>>) target(%arg5 : memref<104xi32, #tpu.memory_space<vmem>>) target_semaphore(%run_scoped3A : memref<!tpu.dma_semaphore, #tpu.memory_space<semaphore_mem>>)
      %dma_wait3A_29 = tpu.memref_slice %arg2[%add3A_10] : memref<10000xi32, #tpu.memory_space<hbm>> -> memref<104xi32, #tpu.memory_space<hbm>>
      %dma_wait3A_30 = tpu.memref_slice %arg2[%add3A_10] : memref<10000xi32, #tpu.memory_space<hbm>> -> memref<104xi32, #tpu.memory_space<hbm>>
      tpu.wait_dma2 semaphore(%run_scoped3A : memref<!tpu.dma_semaphore, #tpu.memory_space<semaphore_mem>>) src(%dma_wait3A_30 : memref<104xi32, #tpu.memory_space<hbm>>) dst(%arg5 : memref<104xi32, #tpu.memory_space<vmem>>)
      tpu.yield
    }) : () -> ()
    %dma_start3A_11 = arith.constant 0 : i32
    %dma_start3A_12 = arith.constant 0 : i32
    %dma_start3A_13 = tpu.memref_slice %arg3[%dma_start3A_11, %dma_start3A_12] : memref<1001x128xf32, #tpu.memory_space<hbm>> -> memref<1001x128xf32, #tpu.memory_space<hbm>>
    tpu.enqueue_indirect_dma source(%dma_start3A_13 : memref<1001x128xf32, #tpu.memory_space<hbm>>) target(%arg6 : memref<104x128xf32, #tpu.memory_space<vmem>>) offsets(%arg5 : memref<104xi32, #tpu.memory_space<vmem>>) semaphore(%arg9 : memref<!tpu.dma_semaphore, #tpu.memory_space<semaphore_mem>>)
    %dma_wait3A_14 = arith.constant 0 : i32
    %dma_wait3A_15 = arith.constant 0 : i32
    %dma_wait3A_16 = tpu.memref_slice %arg3[%dma_wait3A_14, %dma_wait3A_15] : memref<1001x128xf32, #tpu.memory_space<hbm>> -> memref<1001x128xf32, #tpu.memory_space<hbm>>
    tpu.wait_indirect_dma semaphore(%arg9 : memref<!tpu.dma_semaphore, #tpu.memory_space<semaphore_mem>>) src(%dma_wait3A_16 : memref<1001x128xf32, #tpu.memory_space<hbm>>) dst(%arg6 : memref<104x128xf32, #tpu.memory_space<vmem>>)
    "tpu.region"() ({
      %run_scoped3A = tpu.sem_alloc : memref<!tpu.dma_semaphore, #tpu.memory_space<semaphore_mem>>
      %dma_start3A_27 = arith.constant 0 : i32
      %dma_start3A_28 = tpu.memref_slice %arg4[%add3A_10, %dma_start3A_27] : memref<10000x128xf32, #tpu.memory_space<hbm>> -> memref<104x128xf32, #tpu.memory_space<hbm>>
      %dma_start3A_29 = arith.constant 0 : i32
      %dma_start3A_30 = tpu.memref_slice %arg4[%add3A_10, %dma_start3A_29] : memref<10000x128xf32, #tpu.memory_space<hbm>> -> memref<104x128xf32, #tpu.memory_space<hbm>>
      tpu.enqueue_dma source(%arg6 : memref<104x128xf32, #tpu.memory_space<vmem>>) target(%dma_start3A_30 : memref<104x128xf32, #tpu.memory_space<hbm>>) target_semaphore(%run_scoped3A : memref<!tpu.dma_semaphore, #tpu.memory_space<semaphore_mem>>)
      %dma_wait3A_31 = arith.constant 0 : i32
      %dma_wait3A_32 = tpu.memref_slice %arg4[%add3A_10, %dma_wait3A_31] : memref<10000x128xf32, #tpu.memory_space<hbm>> -> memref<104x128xf32, #tpu.memory_space<hbm>>
      %dma_wait3A_33 = arith.constant 0 : i32
      %dma_wait3A_34 = tpu.memref_slice %arg4[%add3A_10, %dma_wait3A_33] : memref<10000x128xf32, #tpu.memory_space<hbm>> -> memref<104x128xf32, #tpu.memory_space<hbm>>
      tpu.wait_dma2 semaphore(%run_scoped3A : memref<!tpu.dma_semaphore, #tpu.memory_space<semaphore_mem>>) src(%arg6 : memref<104x128xf32, #tpu.memory_space<vmem>>) dst(%dma_wait3A_34 : memref<104x128xf32, #tpu.memory_space<hbm>>)
      tpu.yield
    }) : () -> ()
    %add3A_17 = arith.constant 208 : i32
    %add3A_18 = arith.addi %mul3A_2, %add3A_17 : i32
    "tpu.region"() ({
      %run_scoped3A = tpu.sem_alloc : memref<!tpu.dma_semaphore, #tpu.memory_space<semaphore_mem>>
      %dma_start3A_27 = tpu.memref_slice %arg2[%add3A_18] : memref<10000xi32, #tpu.memory_space<hbm>> -> memref<104xi32, #tpu.memory_space<hbm>>
      %dma_start3A_28 = tpu.memref_slice %arg2[%add3A_18] : memref<10000xi32, #tpu.memory_space<hbm>> -> memref<104xi32, #tpu.memory_space<hbm>>
      tpu.enqueue_dma source(%dma_start3A_28 : memref<104xi32, #tpu.memory_space<hbm>>) target(%arg5 : memref<104xi32, #tpu.memory_space<vmem>>) target_semaphore(%run_scoped3A : memref<!tpu.dma_semaphore, #tpu.memory_space<semaphore_mem>>)
      %dma_wait3A_29 = tpu.memref_slice %arg2[%add3A_18] : memref<10000xi32, #tpu.memory_space<hbm>> -> memref<104xi32, #tpu.memory_space<hbm>>
      %dma_wait3A_30 = tpu.memref_slice %arg2[%add3A_18] : memref<10000xi32, #tpu.memory_space<hbm>> -> memref<104xi32, #tpu.memory_space<hbm>>
      tpu.wait_dma2 semaphore(%run_scoped3A : memref<!tpu.dma_semaphore, #tpu.memory_space<semaphore_mem>>) src(%dma_wait3A_30 : memref<104xi32, #tpu.memory_space<hbm>>) dst(%arg5 : memref<104xi32, #tpu.memory_space<vmem>>)
      tpu.yield
    }) : () -> ()
    %dma_start3A_19 = arith.constant 0 : i32
    %dma_start3A_20 = arith.constant 0 : i32
    %dma_start3A_21 = tpu.memref_slice %arg3[%dma_start3A_19, %dma_start3A_20] : memref<1001x128xf32, #tpu.memory_space<hbm>> -> memref<1001x128xf32, #tpu.memory_space<hbm>>
    tpu.enqueue_indirect_dma source(%dma_start3A_21 : memref<1001x128xf32, #tpu.memory_space<hbm>>) target(%arg6 : memref<104x128xf32, #tpu.memory_space<vmem>>) offsets(%arg5 : memref<104xi32, #tpu.memory_space<vmem>>) semaphore(%arg9 : memref<!tpu.dma_semaphore, #tpu.memory_space<semaphore_mem>>)
    %dma_wait3A_22 = arith.constant 0 : i32
    %dma_wait3A_23 = arith.constant 0 : i32
    %dma_wait3A_24 = tpu.memref_slice %arg3[%dma_wait3A_22, %dma_wait3A_23] : memref<1001x128xf32, #tpu.memory_space<hbm>> -> memref<1001x128xf32, #tpu.memory_space<hbm>>
    tpu.wait_indirect_dma semaphore(%arg9 : memref<!tpu.dma_semaphore, #tpu.memory_space<semaphore_mem>>) src(%dma_wait3A_24 : memref<1001x128xf32, #tpu.memory_space<hbm>>) dst(%arg6 : memref<104x128xf32, #tpu.memory_space<vmem>>)
    "tpu.region"() ({
      %run_scoped3A = tpu.sem_alloc : memref<!tpu.dma_semaphore, #tpu.memory_space<semaphore_mem>>
      %dma_start3A_27 = arith.constant 0 : i32
      %dma_start3A_28 = tpu.memref_slice %arg4[%add3A_18, %dma_start3A_27] : memref<10000x128xf32, #tpu.memory_space<hbm>> -> memref<104x128xf32, #tpu.memory_space<hbm>>
      %dma_start3A_29 = arith.constant 0 : i32
      %dma_start3A_30 = tpu.memref_slice %arg4[%add3A_18, %dma_start3A_29] : memref<10000x128xf32, #tpu.memory_space<hbm>> -> memref<104x128xf32, #tpu.memory_space<hbm>>
      tpu.enqueue_dma source(%arg6 : memref<104x128xf32, #tpu.memory_space<vmem>>) target(%dma_start3A_30 : memref<104x128xf32, #tpu.memory_space<hbm>>) target_semaphore(%run_scoped3A : memref<!tpu.dma_semaphore, #tpu.memory_space<semaphore_mem>>)
      %dma_wait3A_31 = arith.constant 0 : i32
      %dma_wait3A_32 = tpu.memref_slice %arg4[%add3A_18, %dma_wait3A_31] : memref<10000x128xf32, #tpu.memory_space<hbm>> -> memref<104x128xf32, #tpu.memory_space<hbm>>
      %dma_wait3A_33 = arith.constant 0 : i32
      %dma_wait3A_34 = tpu.memref_slice %arg4[%add3A_18, %dma_wait3A_33] : memref<10000x128xf32, #tpu.memory_space<hbm>> -> memref<104x128xf32, #tpu.memory_space<hbm>>
      tpu.wait_dma2 semaphore(%run_scoped3A : memref<!tpu.dma_semaphore, #tpu.memory_space<semaphore_mem>>) src(%arg6 : memref<104x128xf32, #tpu.memory_space<vmem>>) dst(%dma_wait3A_34 : memref<104x128xf32, #tpu.memory_space<hbm>>)
      tpu.yield
    }) : () -> ()
    %eq3A = arith.constant 31 : i32
    %eq3A_25 = arith.cmpi eq, %add3A, %eq3A : i32
    %convert_element_type3A = arith.extui %eq3A_25 : i1 to i32
    %cond3A = arith.constant 0 : i32
    %cond3A_26 = arith.cmpi ne, %convert_element_type3A, %cond3A : i32
    scf.if %cond3A_26 {
      %add3A_27 = arith.constant 312 : i32
      %add3A_28 = arith.addi %mul3A_2, %add3A_27 : i32
      "tpu.region"() ({
        %run_scoped3A = tpu.sem_alloc : memref<!tpu.dma_semaphore, #tpu.memory_space<semaphore_mem>>
        %dma_start3A_35 = tpu.memref_slice %arg2[%add3A_28] : memref<10000xi32, #tpu.memory_space<hbm>> -> memref<16xi32, #tpu.memory_space<hbm>>
        %dma_start3A_36 = tpu.memref_slice %arg2[%add3A_28] : memref<10000xi32, #tpu.memory_space<hbm>> -> memref<16xi32, #tpu.memory_space<hbm>>
        tpu.enqueue_dma source(%dma_start3A_36 : memref<16xi32, #tpu.memory_space<hbm>>) target(%arg7 : memref<16xi32, #tpu.memory_space<vmem>>) target_semaphore(%run_scoped3A : memref<!tpu.dma_semaphore, #tpu.memory_space<semaphore_mem>>)
        %dma_wait3A_37 = tpu.memref_slice %arg2[%add3A_28] : memref<10000xi32, #tpu.memory_space<hbm>> -> memref<16xi32, #tpu.memory_space<hbm>>
        %dma_wait3A_38 = tpu.memref_slice %arg2[%add3A_28] : memref<10000xi32, #tpu.memory_space<hbm>> -> memref<16xi32, #tpu.memory_space<hbm>>
        tpu.wait_dma2 semaphore(%run_scoped3A : memref<!tpu.dma_semaphore, #tpu.memory_space<semaphore_mem>>) src(%dma_wait3A_38 : memref<16xi32, #tpu.memory_space<hbm>>) dst(%arg7 : memref<16xi32, #tpu.memory_space<vmem>>)
        tpu.yield
      }) : () -> ()
      %dma_start3A_29 = arith.constant 0 : i32
      %dma_start3A_30 = arith.constant 0 : i32
      %dma_start3A_31 = tpu.memref_slice %arg3[%dma_start3A_29, %dma_start3A_30] : memref<1001x128xf32, #tpu.memory_space<hbm>> -> memref<1001x128xf32, #tpu.memory_space<hbm>>
      tpu.enqueue_indirect_dma source(%dma_start3A_31 : memref<1001x128xf32, #tpu.memory_space<hbm>>) target(%arg8 : memref<16x128xf32, #tpu.memory_space<vmem>>) offsets(%arg7 : memref<16xi32, #tpu.memory_space<vmem>>) semaphore(%arg9 : memref<!tpu.dma_semaphore, #tpu.memory_space<semaphore_mem>>)
      %dma_wait3A_32 = arith.constant 0 : i32
      %dma_wait3A_33 = arith.constant 0 : i32
      %dma_wait3A_34 = tpu.memref_slice %arg3[%dma_wait3A_32, %dma_wait3A_33] : memref<1001x128xf32, #tpu.memory_space<hbm>> -> memref<1001x128xf32, #tpu.memory_space<hbm>>
      tpu.wait_indirect_dma semaphore(%arg9 : memref<!tpu.dma_semaphore, #tpu.memory_space<semaphore_mem>>) src(%dma_wait3A_34 : memref<1001x128xf32, #tpu.memory_space<hbm>>) dst(%arg8 : memref<16x128xf32, #tpu.memory_space<vmem>>)
      "tpu.region"() ({
        %run_scoped3A = tpu.sem_alloc : memref<!tpu.dma_semaphore, #tpu.memory_space<semaphore_mem>>
        %dma_start3A_35 = arith.constant 0 : i32
        %dma_start3A_36 = tpu.memref_slice %arg4[%add3A_28, %dma_start3A_35] : memref<10000x128xf32, #tpu.memory_space<hbm>> -> memref<16x128xf32, #tpu.memory_space<hbm>>
        %dma_start3A_37 = arith.constant 0 : i32
        %dma_start3A_38 = tpu.memref_slice %arg4[%add3A_28, %dma_start3A_37] : memref<10000x128xf32, #tpu.memory_space<hbm>> -> memref<16x128xf32, #tpu.memory_space<hbm>>
        tpu.enqueue_dma source(%arg8 : memref<16x128xf32, #tpu.memory_space<vmem>>) target(%dma_start3A_38 : memref<16x128xf32, #tpu.memory_space<hbm>>) target_semaphore(%run_scoped3A : memref<!tpu.dma_semaphore, #tpu.memory_space<semaphore_mem>>)
        %dma_wait3A_39 = arith.constant 0 : i32
        %dma_wait3A_40 = tpu.memref_slice %arg4[%add3A_28, %dma_wait3A_39] : memref<10000x128xf32, #tpu.memory_space<hbm>> -> memref<16x128xf32, #tpu.memory_space<hbm>>
        %dma_wait3A_41 = arith.constant 0 : i32
        %dma_wait3A_42 = tpu.memref_slice %arg4[%add3A_28, %dma_wait3A_41] : memref<10000x128xf32, #tpu.memory_space<hbm>> -> memref<16x128xf32, #tpu.memory_space<hbm>>
        tpu.wait_dma2 semaphore(%run_scoped3A : memref<!tpu.dma_semaphore, #tpu.memory_space<semaphore_mem>>) src(%arg8 : memref<16x128xf32, #tpu.memory_space<vmem>>) dst(%dma_wait3A_42 : memref<16x128xf32, #tpu.memory_space<hbm>>)
        tpu.yield
      }) : () -> ()
    } else {
    }
    return
  }
}

</mosaic_0001>

<sc_bundles>
// kernel: _emb_gather.3.cloned.1.call-start
scs
__scs_entry_jumppad:
0x0: {  	(pc) =	sbr.rel $0x88, $3  }
0x1: {  	(tag) =	ssettag $0x0;
	lr =	simm.s32 $0x1  }
0x2: {  	[smem:$0x3F9F] =	sst lr;
	_ =	strace $0xD0000000  }
0x3: {  	_ = 	snop  }
0x4: {  	_ = 	snop  }
0x5: {  	_ = 	snop  }
0x6: {  	_ = 	snop  }
0x7: {  	_ = 	snop  }
__scs_overlays_trampoline_lowered:
0x8: {  	[smem:$0x3FAE] =	sst s0  }
0x9: {  	[smem:$0x3FAF] =	sst s1  }
0xa: {  	[smem:$0x3FB0] =	sst s2  }
0xb: {  	[smem:$0x3FB1] =	sst s3  }
0xc: {  	[smem:$0x3FB2] =	sst s4  }
0xd: {  	[smem:$0x3FB3] =	sst s5  }
0xe: {  	[smem:$0x3FB4] =	sst s6  }
0xf: {  	[smem:$0x3FB5] =	sst s7  }
0x10: {  	[smem:$0x3FB6] =	sst s8  }
0x11: {  	[smem:$0x3FB7] =	sst s9;
	s0 =	simm.s32 @!p0 $0x0  }
0x12: {  	s1 =	sld [smem:$0x3F9D];
	s0 =	simm.s32 @p0 $0x1  }
0x13: {  	[smem:$0x3FB8] =	sst s0;
	s0 =	simm.s32 @!p1 $0x0  }
0x14: {  	s2 =	sld [smem:$0x3F9C];
	s0 =	simm.s32 @p1 $0x1  }
0x15: {  	[smem:$0x3FB9] =	sst s0;
	s0 =	simm.s32 @!p2 $0x0  }
0x16: {  	s3 =	sld [smem:$0x3FDB];
	s0 =	simm.s32 @p2 $0x1  }
0x17: {  	s4 =	simm.s32 $0x1BF5;
	[smem:$0x3FBB] =	sst s0  }
0x18: {  	s0 =	sld [smem:$0x3F9E];
	_ =	swait.ge [sflag:s4], $0x0  }
0x19: {  	s7 =	sld [smem:$0x3F9F]  }
0x1a: {  	s8 =	sadd.s32 $0xFFFFE003, lr  }
0x1b: {  	s9 =	sadd.s32 $0xFFFFFEF7, lr;
	s5 =	simm.s32 $0xFFFFFFFF;
	p2 =	slt.u32 s8, $0xFFFFF086  }
0x1c: {  	p1 =	slt.u32 s9, $0xF7A;
	s5 =	simm.s32 @!p2 $0x0  }
0x1d: {  	s5 =	simm.s32 @p1 $0x1;
	p0 =	seq.s32 s7, s2  }
0x1e: {  	s7 =	smul.u32 @!p0 $0xF7A, s2;
	p2 =	seq.s32 @!p0 s5, $0x0  }
0x1f: {  	s9 =	smul.u32 $0xF7A, s1;
	s8 =	simm.s32 @!p0 $0x1BF5;
	p2 =	por !p2, p0  }
0x20: {  	[sflag:s8] =	ssyncset.s32 @!p0 $0xFFFFF086;
	s6 =	sadd.s32 @!p0 s3, s7;
	s7 =	simm.s32 @!p0 $0x108  }
0x21: {  	s3 =	sadd.s32 s3, s9;
	s6 =	sadd.s32 @!p0 $0x88, s6;
	s7 =	simm.s32 @p2 $0x1082  }
0x22: {  	[simem:s7], [sflag:s8] =	dma.local @!p0 [hbm:s6], $0xF7A  }
0x23: {  	s9 =	sor.u32 $0xD0000000, s2;
	s6 =	simm.s32 $0x108;
	_ =	swait.ge @!p0 [sflag:s8], $0x0  }
0x24: {  	s3 =	sadd.s32 $0x88, s3;
	s6 =	simm.s32 @!p1 $0x1082;
	[sflag:s4] =	ssyncset.s32 $0xFFFFF086  }
0x25: {  	[simem:s6], [sflag:s4] =	dma.local [hbm:s3], $0xF7A  }
0x26: {  	[smem:$0x3F9F] =	sst s1;
	(tag) =	ssettag s2;
	_ =	strace s9  }
0x27: {  	s1 =	sld [smem:$0x3FAF]  }
0x28: {  	s2 =	sld [smem:$0x3FB0]  }
0x29: {  	s4 =	sld [smem:$0x3FB2]  }
0x2a: {  	p0 =	seq.s32 s5, $0x0;
	s5 =	sld [smem:$0x3FB3]  }
0x2b: {  	s6 =	sld [smem:$0x3FB4]  }
0x2c: {  	s7 =	sld [smem:$0x3FB5]  }
0x2d: {  	s3 =	simm.s32 $0x108;
	s8 =	sld [smem:$0x3FB6]  }
0x2e: {  	s3 =	simm.s32 @!p0 $0x1082;
	s9 =	sld [smem:$0x3FB7]  }
0x2f: {  	lr =	sadd.s32 s0, s3;
	s0 =	sld [smem:$0x3FAE]  }
0x30: {  	s3 =	sld [smem:$0x3FB1]  }
0x31: {  	[smem:$0x3FBA] =	sst s10  }
0x32: {  	s10 =	sld [smem:$0x3FB8];
	_ =	sdelay $0x3  }
0x33: {  	p0 =	seq.s32 s10, $0x1;
	s10 =	sld [smem:$0x3FBA];
	_ =	sdelay $0x3  }
0x34: {  	[smem:$0x3FBA] =	sst s10  }
0x35: {  	s10 =	sld [smem:$0x3FB9];
	_ =	sdelay $0x3  }
0x36: {  	p1 =	seq.s32 s10, $0x1;
	s10 =	sld [smem:$0x3FBA];
	_ =	sdelay $0x3  }
0x37: {  	[smem:$0x3FBA] =	sst s10  }
0x38: {  	s10 =	sld [smem:$0x3FBB]  }
0x39: {  	_ = 	snop;
	(pc) =	sbr.ind lr, $3  }
0x3a: {  	_ = 	snop  }
0x3b: {  	_ = 	snop  }
0x3c: {  	p2 =	seq.s32 s10, $0x1;
	s10 =	sld [smem:$0x3FBA]  }
0x3d: {  	_ =	shalt  }
0x3e: {  	_ =	shalt  }
0x3f: {  	_ =	shalt  }
0x40: {  	_ =	shalt  }
0x41: {  	_ =	shalt  }
0x42: {  	_ =	shalt  }
0x43: {  	_ =	shalt  }
0x44: {  	_ =	shalt  }
0x45: {  	_ =	shalt  }
0x46: {  	_ =	shalt  }
0x47: {  	_ =	shalt  }
0x48: {  	_ =	shalt  }
0x49: {  	_ =	shalt  }
0x4a: {  	_ =	shalt  }
0x4b: {  	_ =	shalt  }
0x4c: {  	_ =	shalt  }
0x4d: {  	_ =	shalt  }
0x4e: {  	_ =	shalt  }
0x4f: {  	_ =	shalt  }
0x50: {  	_ =	shalt  }
0x51: {  	_ =	shalt  }
0x52: {  	_ =	shalt  }
0x53: {  	_ =	shalt  }
0x54: {  	_ =	shalt  }
0x55: {  	_ =	shalt  }
0x56: {  	_ =	shalt  }
0x57: {  	_ =	shalt  }
0x58: {  	_ =	shalt  }
0x59: {  	_ =	shalt  }
0x5a: {  	_ =	shalt  }
0x5b: {  	_ =	shalt  }
0x5c: {  	_ =	shalt  }
0x5d: {  	_ =	shalt  }
0x5e: {  	_ =	shalt  }
0x5f: {  	_ =	shalt  }
0x60: {  	_ =	shalt  }
0x61: {  	_ =	shalt  }
0x62: {  	_ =	shalt  }
0x63: {  	_ =	shalt  }
0x64: {  	_ =	shalt  }
0x65: {  	_ =	shalt  }
0x66: {  	_ =	shalt  }
0x67: {  	_ =	shalt  }
0x68: {  	_ =	shalt  }
0x69: {  	_ =	shalt  }
0x6a: {  	_ =	shalt  }
0x6b: {  	_ =	shalt  }
0x6c: {  	_ =	shalt  }
0x6d: {  	_ =	shalt  }
0x6e: {  	_ =	shalt  }
0x6f: {  	_ =	shalt  }
0x70: {  	_ =	shalt  }
0x71: {  	_ =	shalt  }
0x72: {  	_ =	shalt  }
0x73: {  	_ =	shalt  }
0x74: {  	_ =	shalt  }
0x75: {  	_ =	shalt  }
0x76: {  	_ =	shalt  }
0x77: {  	_ =	shalt  }
0x78: {  	_ =	shalt  }
0x79: {  	_ =	shalt  }
0x7a: {  	_ =	shalt  }
0x7b: {  	_ =	shalt  }
0x7c: {  	_ =	shalt  }
0x7d: {  	_ =	shalt  }
0x7e: {  	_ =	shalt  }
0x7f: {  	_ =	shalt  }
0x80: {  	_ =	shalt  }
0x81: {  	_ =	shalt  }
0x82: {  	_ =	shalt  }
0x83: {  	_ =	shalt  }
0x84: {  	_ =	shalt  }
0x85: {  	_ =	shalt  }
0x86: {  	_ =	shalt  }
0x87: {  	_ =	shalt  }
.Lfunc_end0:
.L_simem_size_0:
called_computation_lowered:
.L_overlay_start_0:
0x88: {  	s2 =	sld [smem:$0x3FD9]  }
0x89: {  	s3 =	sld [smem:$0x3FFE];
	_ =	sdelay $0x1  }
0x8a: {  	s1 =	srdreg.scid  }
0x8b: {  	s0 =	sand.u32 $0x1, s1  }
0x8c: {  	s18 =	sshll.u32 s0, $0xA;
	s2 =	sadd.s32 s3, s2  }
0x8d: {  	s2 =	sadd.s32 s2, s18  }
0x8e: {  	[smem:$0x3FC6] =	sst s2  }
0x8f: {  	_ = 	snop  }
0x90: {  	s2 =	sld [smem:$0x3FC9]  }
0x91: {  	s19 =	sld [smem:$0x3FC8]  }
0x92: {  	s4 =	sld [smem:$0x3FD0];
	(tm) =	ssettm $0x1  }
0x93: {  	s5 =	sld [smem:$0x3FFB];
	_ =	sdelay $0x3  }
0x94: {  	_ =	strace s5  }
0x95: {  	s5 =	sld [smem:$0x3FFC];
	_ =	sdelay $0x3  }
0x96: {  	_ =	strace s5  }
0x97: {  	s5 =	sld [smem:$0x3FFD];
	_ =	sdelay $0x3  }
0x98: {  	_ =	strace s5  }
0x99: {  	_ =	strace $0x8FFFFFFF  }
0x9a: {  	s20 =	sld [smem:$0x3FDB];
	_ =	sdelay $0x1  }
0x9b: {  	s6 =	simm.s32 $_scs_section_size  }
0x9c: {  	s7 =	simm.s32 $_size__tile_overlayer_lowered;
	s8 =	simm.s32 $_tile_overlayer_lowered  }
0x9d: {  	s23 =	simm.s32 $0x1BFF;
	s22 =	sshll.u32 s8, $0x1;
	s5 =	sadd.s32 s6, s20  }
0x9e: {  	s9 =	simm.s32 $0x0;
	s21 =	sshll.u32 s7, $0x1;
	s7 =	sadd.s32 s22, s5  }
0x9f: {  	[timem:s9], [sflag:s23] =	dma.local [hbm:s7], s21  }
0xa0: {  	_ =	swait.ge [sflag:s23], s21  }
0xa1: {  	s6 =	ssub.s32 $0x0, s21;
	[sflag:s23] =	ssyncset.done $0x0  }
0xa2: {  	[sflag:s23] =	ssyncadd.s32 s6;
	_ =	sdelay $0x1  }
0xa3: {  	s24 =	simm.s32 $0x1B8B  }
0xa4: {  	_ =	swait.ge [sflag:s24], $0x1  }
0xa5: {  	[sflag:s24] =	ssyncset.done $0x0  }
0xa6: {  	s25 =	simm.s32 $0x1B8E;
	[sflag:s24] =	ssyncadd.s32 $0xFFFFFFFF  }
0xa7: {  	s26 =	simm.s32 $execute0_lowered;
	[smem:$0x3FD2] =	sst s25  }
0xa8: {  	s6 =	sshll.u32 s26, $0x1;
	_ =	strace $0x80000046;
	[dreg:$0x1] =	wrdreg $0xFFFFFFFF  }
0xa9: {  	s28 =	simm.s32 $_size_execute0_lowered;
	s5 =	sadd.s32 s5, s6;
	[dreg:$0x0] =	wrdreg $0x0  }
0xaa: {  	s6 =	sshll.u32 s28, $0x1;
	[dreg:$0x2] =	wrdreg s5  }
0xab: {  	[dreg:$0x3] =	wrdreg s6  }
0xac: {  	[dreg:$0x4] =	wrdreg $0xC0  }
0xad: {  	_ =	task [dreg:s9], $0x5FFFF  }
0xae: {  	[dreg:$0x1] =	wrdreg $0xFFFFFFFF  }
0xaf: {  	[dreg:$0x0] =	wrdreg $0x60  }
0xb0: {  	[dreg:$0x2] =	wrdreg s2  }
0xb1: {  	[dreg:$0x3] =	wrdreg s19  }
0xb2: {  	[dreg:$0x4] =	wrdreg s4  }
0xb3: {  	[dreg:$0x5] =	wrdreg $0x9  }
0xb4: {  	_ =	task.clear_ibuf [dreg:s9], $0x6FFFF;
	_ =	strace $0x90000046  }
0xb5: {  	s29 =	simm.s32 $0x9;
	_ =	strace $0x80000048  }
0xb6: {  	_ =	swait.ge [sflag:s29], $0x1  }
0xb7: {  	[sflag:s29] =	ssyncadd.s32 $0xFFFFFFFF  }
0xb8: {  	_ =	strace $0x90000048  }
0xb9: {  	_ =	sfence  }
0xba: {  	s30 =	sld [smem:$0x0];
	_ =	sdelay $0x2  }
0xbb: {  	s31 =	sshll.u32 s1, $0xD;
	s1 =	sshrl.u32 s1, $0x2  }
0xbc: {  	s3 =	sand.u32 $0x4000, s31;
	s1 =	sadd.s32 s1, s30  }
0xbd: {  	s0 =	sor.u32 s3, s0;
	s1 =	sshll.u32 s1, $0x11  }
0xbe: {  	s0 =	sor.u32 s1, s0  }
0xbf: {  	s0 =	sadd.s32 $0x8F2B, s0  }
0xc0: {  	[sflag:s0] =	ssyncadd.remote.s32 $0x1  }
0xc1: {  	_ =	sfence.sel $0xFFFF  }
0xc2: {  	[dreg:$0x0] =	wrdreg $0xFFFFFFFF;
	(pc) =	sbr.abs _section_cstart, $3  }
0xc3: {  	[dreg:$0x1] =	wrdreg $0xFFFFFFFF  }
0xc4: {  	_ =	task.clear_ibuf [dreg:s9], $0x2FFFF;
	_ =	strace $0x9FFFFFFF  }
0xc5: {  	(tm) =	ssettm $0x7FFFFFFF  }
tec
execute0_lowered:
.L_overlay_start_1:
0x0: {  	(tag) =	ssettag $0x1  }
0x1: {  	s1 =	srdreg.scid;
	s0 =	stileid.u32  }
0x2: {  	s18 =	sand.u32 $0x1, s1;
	s31 =	sshll.u32 s0, $0x1  }
0x3: {  	s14 =	rddreg [dreg:$0x0];
	s15 =	sor.u32 s18, s31  }
0x4: {  	s2 =	rddreg [dreg:$0x1];
	s12 =	smul.u32 $0x138, s15  }
0x5: {  	s21 =	rddreg [dreg:$0x2];
	s3 =	simm.s32 $0x0  }
0x6: {  	s5 =	simm.s32 $0x2;
	[smem:$0x7FF] =	sst s3;
	s4 =	sshrl.u32 s12, $0x3  }
0x7: {  	s1 =	rddreg [dreg:$0x3];
	_ =	strace $0x80000047;
	s4 =	sadd.s32 s14, s4  }
0x8: {  	[tilespmem:s3], [sflag:$0x2] =	stream.linear.gather [hbm4b:s4+s3], $0x68, $0x38;
	[tilespmem:$0x3D00] =	vst v63  }
0x9: {  	_ =	swait.ge [sflag:s5], $0x68  }
0xa: {  	s6 =	simm.s32 $0x68;
	[sflag:s5] =	ssyncset.done $0x0  }
0xb: {  	s7 =	simm.s32 $0x80;
	s8 =	simm.s32 $0x1;
	[sflag:s5] =	ssyncadd.s32 $0xFFFFFF98  }
0xc: {  	[tilespmem:s7], [sflag:$0x1] =	stream.indirect.gather [hbm4b:s2+s6], $0x80, s3, s6, $0xb8;
	[tilespmem:$0x3D00] =	vst v63  }
0xd: {  	s9 =	smul.u32 $0x1380, s15;
	_ =	swait.ge [sflag:s8], $0x3400  }
0xe: {  	[sflag:s8] =	ssyncset.done $0x0  }
0xf: {  	s9 =	sadd.s32 s21, s9;
	[sflag:s8] =	ssyncadd.s32 $0xFFFFCC00  }
0x10: {  	[hbm4b:s9+s3] =	stream.linear.scatter [tilespmem:s7], [sflag:$0x2], $0x3400, $0x38;
	[tilespmem:$0x3D00] =	vst v63  }
0x11: {  	s11 =	sadd.s32 $0x68, s12;
	_ =	swait.ge [sflag:s5], $0x3400  }
0x12: {  	s10 =	sshrl.u32 s11, $0x3;
	[sflag:s5] =	ssyncset.done $0x0  }
0x13: {  	s10 =	sadd.s32 s14, s10;
	[sflag:s5] =	ssyncadd.s32 $0xFFFFCC00  }
0x14: {  	[tilespmem:s3], [sflag:$0x2] =	stream.linear.gather [hbm4b:s10+s3], $0x68, $0x38;
	[tilespmem:$0x3D00] =	vst v63  }
0x15: {  	_ =	swait.ge [sflag:s5], $0x68  }
0x16: {  	[sflag:s5] =	ssyncset.done $0x0  }
0x17: {  	[sflag:s5] =	ssyncadd.s32 $0xFFFFFF98  }
0x18: {  	[tilespmem:s7], [sflag:$0x1] =	stream.indirect.gather [hbm4b:s2+s6], $0x80, s3, s6, $0xb8;
	[tilespmem:$0x3D00] =	vst v63  }
0x19: {  	_ =	swait.ge [sflag:s8], $0x3400  }
0x1a: {  	s11 =	sshll.u32 s11, $0x4;
	[sflag:s8] =	ssyncset.done $0x0  }
0x1b: {  	s11 =	sadd.s32 s21, s11;
	[sflag:s8] =	ssyncadd.s32 $0xFFFFCC00  }
0x1c: {  	[hbm4b:s11+s3] =	stream.linear.scatter [tilespmem:s7], [sflag:$0x2], $0x3400, $0x38;
	[tilespmem:$0x3D00] =	vst v63  }
0x1d: {  	s13 =	sadd.s32 $0xD0, s12;
	_ =	swait.ge [sflag:s5], $0x3400  }
0x1e: {  	s12 =	sshrl.u32 s13, $0x3;
	[sflag:s5] =	ssyncset.done $0x0  }
0x1f: {  	s12 =	sadd.s32 s14, s12;
	[sflag:s5] =	ssyncadd.s32 $0xFFFFCC00  }
0x20: {  	[tilespmem:s3], [sflag:$0x2] =	stream.linear.gather [hbm4b:s12+s3], $0x68, $0x38;
	[tilespmem:$0x3D00] =	vst v63  }
0x21: {  	_ =	swait.ge [sflag:s5], $0x68  }
0x22: {  	[sflag:s5] =	ssyncset.done $0x0  }
0x23: {  	[sflag:s5] =	ssyncadd.s32 $0xFFFFFF98  }
0x24: {  	[tilespmem:s7], [sflag:$0x1] =	stream.indirect.gather [hbm4b:s2+s6], $0x80, s3, s6, $0xb8;
	[tilespmem:$0x3D00] =	vst v63  }
0x25: {  	_ =	swait.ge [sflag:s8], $0x3400  }
0x26: {  	s13 =	sshll.u32 s13, $0x4;
	[sflag:s8] =	ssyncset.done $0x0  }
0x27: {  	s22 =	ssub.s32 $0x2, s18;
	s13 =	sadd.s32 s21, s13;
	[sflag:s8] =	ssyncadd.s32 $0xFFFFCC00  }
0x28: {  	[hbm4b:s13+s3] =	stream.linear.scatter [tilespmem:s7], [sflag:$0x2], $0x3400, $0x38;
	[tilespmem:$0x3D00] =	vst v63  }
0x29: {  	p0 =	sne.s32 s15, $0x1F;
	s15 =	sadd.s32 $0x4E0, s14;
	_ =	swait.ge [sflag:s5], $0x3400  }
0x2a: {  	s23 =	sshrl.u32 s22, $0x1;
	s16 =	simm.s32 @!p0 $0x0;
	[sflag:s5] =	ssyncset.done $0x0  }
0x2b: {  	s17 =	simm.s32 @!p0 $0x3480;
	s14 =	simm.s32 @!p0 $0x2;
	[sflag:s5] =	ssyncadd.s32 $0xFFFFCC00  }
0x2c: {  	[tilespmem:s17], [sflag:$0x2] =	stream.linear.gather @!p0 [hbm4b:s15+s16], $0x10, $0x38;
	[tilespmem:$0x3D00] =	vst v63  }
0x2d: {  	s18 =	simm.s32 @!p0 $0x1;
	s22 =	ssub.s32 s22, s23;
	_ =	swait.ge @!p0 [sflag:s14], $0x10  }
0x2e: {  	s19 =	simm.s32 @!p0 $0x10;
	s22 =	smax.u32 s22, $0x1;
	[sflag:s14] =	ssyncset.done @!p0 $0x0  }
0x2f: {  	s20 =	simm.s32 @!p0 $0x3500;
	s22 =	sadd.s32 $0xFFFFFFFF, s22;
	[sflag:s14] =	ssyncadd.s32 @!p0 $0xFFFFFFF0  }
0x30: {  	[tilespmem:s20], [sflag:$0x1] =	stream.indirect.gather @!p0 [hbm4b:s2+s19], $0x80, s17, s19, $0xb8;
	[tilespmem:$0x3D00] =	vst v63  }
0x31: {  	p1 =	sne.s32 s22, $0x0;
	_ =	swait.ge @!p0 [sflag:s18], $0x800  }
.Ltmp0:
0x32: {  	[sflag:s18] =	ssyncset.done @!p0 $0x0;
	(pc) =	sbr.rel @!p1 .LBB2_2-.Ltmp0, $4  }
0x33: {  	s21 =	sadd.s32 $0x27000, s21;
	[sflag:s18] =	ssyncadd.s32 @!p0 $0xFFFFF800  }
0x34: {  	[hbm4b:s21+s16] =	stream.linear.scatter @!p0 [tilespmem:s20], [sflag:$0x2], $0x800, $0x38;
	[tilespmem:$0x3D00] =	vst v63  }
0x35: {  	_ =	swait.ge @!p0 [sflag:s14], $0x800  }
0x36: {  	[sflag:s14] =	ssyncset.done @!p0 $0x0  }
.LBB2_1:
0x37: {  	s22 =	sadd.s32 $0xFFFFFFFF, s22;
	[sflag:s14] =	ssyncadd.s32 @!p0 $0xFFFFF800  }
0x38: {  	[tilespmem:s3], [sflag:$0x2] =	stream.linear.gather [hbm4b:s4+s3], $0x68, $0x38;
	[tilespmem:$0x3D00] =	vst v63  }
0x39: {  	p1 =	sne.s32 s22, $0x0;
	_ =	swait.ge [sflag:s5], $0x68  }
0x3a: {  	[sflag:s5] =	ssyncset.done $0x0  }
0x3b: {  	[sflag:s5] =	ssyncadd.s32 $0xFFFFFF98  }
0x3c: {  	[tilespmem:s7], [sflag:$0x1] =	stream.indirect.gather [hbm4b:s2+s6], $0x80, s3, s6, $0xb8;
	[tilespmem:$0x3D00] =	vst v63  }
0x3d: {  	_ =	swait.ge [sflag:s8], $0x3400  }
0x3e: {  	[sflag:s8] =	ssyncset.done $0x0  }
0x3f: {  	[sflag:s8] =	ssyncadd.s32 $0xFFFFCC00  }
0x40: {  	[hbm4b:s9+s3] =	stream.linear.scatter [tilespmem:s7], [sflag:$0x2], $0x3400, $0x38;
	[tilespmem:$0x3D00] =	vst v63  }
0x41: {  	_ =	swait.ge [sflag:s5], $0x3400  }
0x42: {  	[sflag:s5] =	ssyncset.done $0x0  }
0x43: {  	[sflag:s5] =	ssyncadd.s32 $0xFFFFCC00  }
0x44: {  	[tilespmem:s3], [sflag:$0x2] =	stream.linear.gather [hbm4b:s10+s3], $0x68, $0x38;
	[tilespmem:$0x3D00] =	vst v63  }
0x45: {  	_ =	swait.ge [sflag:s5], $0x68  }
0x46: {  	[sflag:s5] =	ssyncset.done $0x0  }
0x47: {  	[sflag:s5] =	ssyncadd.s32 $0xFFFFFF98  }
0x48: {  	[tilespmem:s7], [sflag:$0x1] =	stream.indirect.gather [hbm4b:s2+s6], $0x80, s3, s6, $0xb8;
	[tilespmem:$0x3D00] =	vst v63  }
0x49: {  	_ =	swait.ge [sflag:s8], $0x3400  }
0x4a: {  	[sflag:s8] =	ssyncset.done $0x0  }
0x4b: {  	[sflag:s8] =	ssyncadd.s32 $0xFFFFCC00  }
0x4c: {  	[hbm4b:s11+s3] =	stream.linear.scatter [tilespmem:s7], [sflag:$0x2], $0x3400, $0x38;
	[tilespmem:$0x3D00] =	vst v63  }
0x4d: {  	_ =	swait.ge [sflag:s5], $0x3400  }
0x4e: {  	[sflag:s5] =	ssyncset.done $0x0  }
0x4f: {  	[sflag:s5] =	ssyncadd.s32 $0xFFFFCC00  }
0x50: {  	[tilespmem:s3], [sflag:$0x2] =	stream.linear.gather [hbm4b:s12+s3], $0x68, $0x38;
	[tilespmem:$0x3D00] =	vst v63  }
0x51: {  	_ =	swait.ge [sflag:s5], $0x68  }
0x52: {  	[sflag:s5] =	ssyncset.done $0x0  }
0x53: {  	[sflag:s5] =	ssyncadd.s32 $0xFFFFFF98  }
0x54: {  	[tilespmem:s7], [sflag:$0x1] =	stream.indirect.gather [hbm4b:s2+s6], $0x80, s3, s6, $0xb8;
	[tilespmem:$0x3D00] =	vst v63  }
0x55: {  	_ =	swait.ge [sflag:s8], $0x3400  }
0x56: {  	[sflag:s8] =	ssyncset.done $0x0  }
0x57: {  	[sflag:s8] =	ssyncadd.s32 $0xFFFFCC00  }
0x58: {  	[hbm4b:s13+s3] =	stream.linear.scatter [tilespmem:s7], [sflag:$0x2], $0x3400, $0x38;
	[tilespmem:$0x3D00] =	vst v63  }
0x59: {  	_ =	swait.ge [sflag:s5], $0x3400  }
0x5a: {  	[sflag:s5] =	ssyncset.done $0x0  }
0x5b: {  	[sflag:s5] =	ssyncadd.s32 $0xFFFFCC00  }
0x5c: {  	[tilespmem:s17], [sflag:$0x2] =	stream.linear.gather @!p0 [hbm4b:s15+s16], $0x10, $0x38;
	[tilespmem:$0x3D00] =	vst v63  }
0x5d: {  	_ =	swait.ge @!p0 [sflag:s14], $0x10  }
0x5e: {  	[sflag:s14] =	ssyncset.done @!p0 $0x0  }
0x5f: {  	[sflag:s14] =	ssyncadd.s32 @!p0 $0xFFFFFFF0  }
0x60: {  	[tilespmem:s20], [sflag:$0x1] =	stream.indirect.gather @!p0 [hbm4b:s2+s19], $0x80, s17, s19, $0xb8;
	[tilespmem:$0x3D00] =	vst v63  }
0x61: {  	_ =	swait.ge @!p0 [sflag:s18], $0x800  }
.Ltmp1:
0x62: {  	[sflag:s18] =	ssyncset.done @!p0 $0x0;
	(pc) =	sbr.rel @p1 .LBB2_1-.Ltmp1, $4  }
0x63: {  	[sflag:s18] =	ssyncadd.s32 @!p0 $0xFFFFF800  }
0x64: {  	[hbm4b:s21+s16] =	stream.linear.scatter @!p0 [tilespmem:s20], [sflag:$0x2], $0x800, $0x38;
	[tilespmem:$0x3D00] =	vst v63  }
0x65: {  	_ =	swait.ge @!p0 [sflag:s14], $0x800  }
0x66: {  	[sflag:s14] =	ssyncset.done @!p0 $0x0  }
.LBB2_2:
0x67: {  	[sflag:s14] =	ssyncadd.s32 @!p0 $0xFFFFF800  }
0x68: {  	_ =	sfence.sel $0x180000  }
0x69: {  	[bflag:$0x0] =	sbarrier.arrive $0xFFFF  }
0x6a: {  	p0 =	sne.s32 s0, $0x0;
	_ =	strace $0x90000047  }
0x6b: {  	s0 =	sadd.s32 @!p0 $0x100000, s1;
	[bflag:$0x2] =	sbarrier.arrive $0xFFFF  }
0x6c: {  	[sflag:s0] =	ssyncadd.tile.s32 @!p0 $0x1;
	_ =	shalt  }
.Lfunc_end2:
_tile_overlayer_lowered:
.L_overlay_start_2:
0x6d: {  	(tag) =	ssettag $0x2  }
0x6e: {  	s0 =	rddreg [dreg:$0x0];
	s2 =	stileid.u32  }
0x6f: {  	s1 =	rddreg [dreg:$0x1];
	p0 =	sne.s32 s2, $0x0  }
0x70: {  	s3 =	rddreg [dreg:$0x2];
	[bflag:$0x3] =	sbarrier.arrive $0xFFFF;
	s2 =	simm.s32 @!p0 $0x1C02  }
0x71: {  	[timem:s3], [sflag:s2] =	dma.local @!p0 [hbm:s0], s1  }
0x72: {  	s0 =	simm.s32 @!p0 $0x2  }
0x73: {  	_ =	swait.ge @!p0 [sflag:s0], s1  }
0x74: {  	s1 =	ssub.s32 @!p0 $0x0, s1;
	[sflag:s0] =	ssyncset.done @!p0 $0x0  }
0x75: {  	[sflag:s0] =	ssyncadd.s32 @!p0 s1  }
0x76: {  	[bflag:$0x3] =	sbarrier.arrive $0xFFFF  }
0x77: {  	_ =	shalt  }

</sc_bundles>
